<compile_context>
chip_gen: v7x
topology: tpu7x:2x2x1
jax: 0.10.2.dev20260603
libtpu: 0.0.44.dev20260713+nightly
codegen_flags: <defaults>
</compile_context>

<pallas_src>
import functools

import jax
import jax.numpy as jnp
from jax import lax
from jax.experimental import pallas as pl
from jax.experimental.pallas import tpu as pltpu
from jax.experimental.pallas import tpu_sc as plsc

_B = 16384
_C = 1000
_NC = 2
_NS = 16
_NW = _NC * _NS
_RPW = _B // _NW
_G = 16
_NG = _RPW // _G
_NEG = -3.0e38


def _dlr_body(x_hbm, t_hbm, o_hbm, xbuf, tbuf, obuf):
    wid = lax.axis_index("c") * _NS + lax.axis_index("s")
    row0 = wid * _RPW
    pltpu.sync_copy(t_hbm.at[pl.ds(row0, _RPW)], tbuf)

    lanes = lax.broadcasted_iota(jnp.int32, (16,), 0)
    lane_base = lanes * _C
    neg = jnp.full((16,), _NEG, jnp.float32)

    def group_body(g, carry):
        base = (row0 + g * _G) * _C
        pltpu.sync_copy(x_hbm.at[pl.ds(base, _G * _C)], xbuf)

        def col_body(c, acc):
            a1, a2, a3, idx = acc
            v = plsc.load_gather(xbuf, [idx])
            l1 = jnp.minimum(a1, v)
            a1 = jnp.maximum(a1, v)
            l2 = jnp.minimum(a2, l1)
            a2 = jnp.maximum(a2, l1)
            a3 = jnp.maximum(a3, l2)
            return a1, a2, a3, idx + 1

        a1, a2, a3, _ = lax.fori_loop(0, _C, col_body,
                                      (neg, neg, neg, lane_base))
        t16 = tbuf[pl.ds(g * _G, 16)]
        tl = plsc.load_gather(xbuf, [lane_base + t16])
        num = jnp.where(tl == a1, a2, a1) - tl
        den = (a1 - a3) + jnp.float32(1e-12)
        obuf[pl.ds(g * _G, 16)] = num / den
        return carry

    lax.fori_loop(0, _NG, group_body, jnp.int32(0))
    pltpu.sync_copy(obuf, o_hbm.at[pl.ds(row0, _RPW)])


@functools.partial(
    pl.kernel,
    out_type=jax.ShapeDtypeStruct((_B,), jnp.float32),
    mesh=plsc.VectorSubcoreMesh(core_axis_name="c", subcore_axis_name="s"),
    compiler_params=pltpu.CompilerParams(needs_layout_passes=False),
    scratch_types=[
        pltpu.VMEM((_G * _C,), jnp.float32),
        pltpu.VMEM((_RPW,), jnp.int32),
        pltpu.VMEM((_RPW,), jnp.float32),
    ],
)
def _dlr_sc(x_hbm, t_hbm, o_hbm, xbuf, tbuf, obuf):
    _dlr_body(x_hbm, t_hbm, o_hbm, xbuf, tbuf, obuf)


def kernel(inputs, targets):
    x_flat = inputs.reshape(-1)
    t32 = targets.astype(jnp.int32)
    return _dlr_sc(x_flat, t32)

# --- scband reference (transcript-rebuilt; emitter-appended) ---
"""Pipeline reference for scband-dlr-7730941132962 (READ-ONLY COPY).

The authoritative reference and input builder live on the scoring server;
editing this copy changes nothing except your own understanding.
"""

import jax, jax.numpy as jnp
import numpy as np

B = 16384
C = 1000

def setup_inputs(seed: int = 0) -> dict:
    key = jax.random.key(seed)
    k1, k2 = jax.random.split(key)
    inputs = jax.random.normal(k1, (B, C), dtype=jnp.float32)
    targets = jax.random.randint(k2, (B,), 0, C, dtype=jnp.int64 if jax.config.jax_enable_x64 else jnp.int32)
    return {"inputs": inputs, "targets": targets}

def reference(inputs, targets):
    # DLR loss (Croce et al., AutoAttack)
    logits_sorted = jnp.sort(inputs, axis=1)
    ind_sorted = jnp.argsort(inputs, axis=1)
    ind = (ind_sorted[:, -1] == targets).astype(jnp.float32)
    u = jnp.arange(inputs.shape[0])
    true_logit = inputs[u, targets]
    num = -(true_logit - logits_sorted[:, -2] * ind - logits_sorted[:, -1] * (1.0 - ind))
    den = logits_sorted[:, -1] - logits_sorted[:, -3] + 1e-12
    return num / den

if __name__ == "__main__":
    import jax
    _d = setup_inputs()
    print(jax.jit(kernel)(*tuple(_d.values())))

</pallas_src>

<mosaic_0001>
#map = affine_map<(d0, d1) -> (0)>
module attributes {stable_mosaic.version = 14 : i64} {
  func.func @_dlr_sc(%arg0: i32, %arg1: i32, %arg2: memref<16384000xf32, #tpu.memory_space<hbm>>, %arg3: memref<16384xi32, #tpu.memory_space<hbm>>, %arg4: memref<16384xf32, #tpu.memory_space<hbm>>, %arg5: memref<16000xf32, #tpu.memory_space<vmem>>, %arg6: memref<512xi32, #tpu.memory_space<vmem>>, %arg7: memref<512xf32, #tpu.memory_space<vmem>>) attributes {dimension_semantics = [#tpu.dimension_semantics<core_parallel>, #tpu.dimension_semantics<subcore_parallel>], iteration_bounds = array<i64: 2, 16>, scalar_prefetch = 0 : i64, scratch_operands = 3 : i64, tpu.core_type = #tpu.core_type<sc_vector_subcore>, window_params = [{transform_indices = #map}, {transform_indices = #map}, {transform_indices = #map}]} {
    %mul3A = arith.constant 16 : i32
    %mul3A_0 = arith.muli %arg0, %mul3A : i32
    %add3A = arith.addi %mul3A_0, %arg1 : i32
    %mul3A_1 = arith.constant 512 : i32
    %mul3A_2 = arith.muli %add3A, %mul3A_1 : i32
    "tpu.region"() ({
      %run_scoped3A = tpu.sem_alloc : memref<!tpu.dma_semaphore, #tpu.memory_space<semaphore_mem>>
      %dma_start3A = tpu.memref_slice %arg3[%mul3A_2] : memref<16384xi32, #tpu.memory_space<hbm>> -> memref<512xi32, #tpu.memory_space<hbm>>
      %dma_start3A_12 = tpu.memref_slice %arg3[%mul3A_2] : memref<16384xi32, #tpu.memory_space<hbm>> -> memref<512xi32, #tpu.memory_space<hbm>>
      tpu.enqueue_dma source(%dma_start3A_12 : memref<512xi32, #tpu.memory_space<hbm>>) target(%arg6 : memref<512xi32, #tpu.memory_space<vmem>>) target_semaphore(%run_scoped3A : memref<!tpu.dma_semaphore, #tpu.memory_space<semaphore_mem>>)
      %dma_wait3A = tpu.memref_slice %arg3[%mul3A_2] : memref<16384xi32, #tpu.memory_space<hbm>> -> memref<512xi32, #tpu.memory_space<hbm>>
      %dma_wait3A_13 = tpu.memref_slice %arg3[%mul3A_2] : memref<16384xi32, #tpu.memory_space<hbm>> -> memref<512xi32, #tpu.memory_space<hbm>>
      tpu.wait_dma2 semaphore(%run_scoped3A : memref<!tpu.dma_semaphore, #tpu.memory_space<semaphore_mem>>) src(%dma_wait3A_13 : memref<512xi32, #tpu.memory_space<hbm>>) dst(%arg6 : memref<512xi32, #tpu.memory_space<vmem>>)
      tpu.yield
    }) : () -> ()
    %iota3A = tpu.iota {dimensions = array<i32: 0>} : vector<16xi32>
    %mul3A_3 = arith.constant 1000 : i32
    %mul3A_4 = vector.broadcast %mul3A_3 : i32 to vector<16xi32>
    %mul3A_5 = arith.muli %iota3A, %mul3A_4 : vector<16xi32>
    %broadcast_in_dim3A = arith.constant -3.000000e+38 : f32
    %broadcast_in_dim3A_6 = vector.broadcast %broadcast_in_dim3A : f32 to vector<16xf32>
    %scan3A = arith.constant 0 : i32
    %scan3A_7 = arith.constant 0 : i32
    %scan3A_8 = arith.constant 32 : i32
    %scan3A_9 = arith.addi %scan3A_7, %scan3A_8 : i32
    %scan3A_10 = arith.constant 1 : i32
    scf.for %scan3A_12 = %scan3A_7 to %scan3A_9 step %scan3A_10  : i32 {
      %mul3A_13 = arith.constant 16 : i32
      %mul3A_14 = arith.muli %scan3A_12, %mul3A_13 : i32
      %add3A_15 = arith.addi %mul3A_2, %mul3A_14 : i32
      %mul3A_16 = arith.constant 1000 : i32
      %mul3A_17 = arith.muli %add3A_15, %mul3A_16 : i32
      "tpu.region"() ({
        %run_scoped3A = tpu.sem_alloc : memref<!tpu.dma_semaphore, #tpu.memory_space<semaphore_mem>>
        %dma_start3A = tpu.memref_slice %arg2[%mul3A_17] : memref<16384000xf32, #tpu.memory_space<hbm>> -> memref<16000xf32, #tpu.memory_space<hbm>>
        %dma_start3A_35 = tpu.memref_slice %arg2[%mul3A_17] : memref<16384000xf32, #tpu.memory_space<hbm>> -> memref<16000xf32, #tpu.memory_space<hbm>>
        tpu.enqueue_dma source(%dma_start3A_35 : memref<16000xf32, #tpu.memory_space<hbm>>) target(%arg5 : memref<16000xf32, #tpu.memory_space<vmem>>) target_semaphore(%run_scoped3A : memref<!tpu.dma_semaphore, #tpu.memory_space<semaphore_mem>>)
        %dma_wait3A = tpu.memref_slice %arg2[%mul3A_17] : memref<16384000xf32, #tpu.memory_space<hbm>> -> memref<16000xf32, #tpu.memory_space<hbm>>
        %dma_wait3A_36 = tpu.memref_slice %arg2[%mul3A_17] : memref<16384000xf32, #tpu.memory_space<hbm>> -> memref<16000xf32, #tpu.memory_space<hbm>>
        tpu.wait_dma2 semaphore(%run_scoped3A : memref<!tpu.dma_semaphore, #tpu.memory_space<semaphore_mem>>) src(%dma_wait3A_36 : memref<16000xf32, #tpu.memory_space<hbm>>) dst(%arg5 : memref<16000xf32, #tpu.memory_space<vmem>>)
        tpu.yield
      }) : () -> ()
      %scan3A_18 = arith.constant 0 : i32
      %scan3A_19 = arith.constant 1000 : i32
      %scan3A_20 = arith.addi %scan3A_18, %scan3A_19 : i32
      %scan3A_21 = arith.constant 1 : i32
      %scan3A_22:4 = scf.for %scan3A_35 = %scan3A_18 to %scan3A_20 step %scan3A_21 iter_args(%scan3A_36 = %broadcast_in_dim3A_6, %scan3A_37 = %broadcast_in_dim3A_6, %scan3A_38 = %broadcast_in_dim3A_6, %scan3A_39 = %mul3A_5) -> (vector<16xf32>, vector<16xf32>, vector<16xf32>, vector<16xi32>)  : i32 {
        %gather3A_40 = tpu.vector_load_idx %arg5[%scan3A_39] : memref<16000xf32, #tpu.memory_space<vmem>>[vector<16xi32>], vector<16xf32>,
        %min3A = arith.minimumf %scan3A_36, %gather3A_40 : vector<16xf32>
        %max3A = arith.maximumf %scan3A_36, %gather3A_40 : vector<16xf32>
        %min3A_41 = arith.minimumf %scan3A_37, %min3A : vector<16xf32>
        %max3A_42 = arith.maximumf %scan3A_37, %min3A : vector<16xf32>
        %max3A_43 = arith.maximumf %scan3A_38, %min3A_41 : vector<16xf32>
        %add3A_44 = arith.constant 1 : i32
        %add3A_45 = vector.broadcast %add3A_44 : i32 to vector<16xi32>
        %add3A_46 = arith.addi %scan3A_39, %add3A_45 : vector<16xi32>
        scf.yield %max3A, %max3A_42, %max3A_43, %add3A_46 : vector<16xf32>, vector<16xf32>, vector<16xf32>, vector<16xi32>
      }
      %scan3A_23 = arith.constant 1000 : i32
      %mul3A_24 = arith.constant 16 : i32
      %mul3A_25 = arith.muli %scan3A_12, %mul3A_24 : i32
      %get3A = arith.index_cast %mul3A_25 : i32 to index
      %get3A_26 = tpu.vector_load %arg6[%get3A] {strides = array<i32>} : memref<512xi32, #tpu.memory_space<vmem>>, vector<16xi32>,
      %add3A_27 = arith.addi %mul3A_5, %get3A_26 : vector<16xi32>
      %gather3A = tpu.vector_load_idx %arg5[%add3A_27] : memref<16000xf32, #tpu.memory_space<vmem>>[vector<16xi32>], vector<16xf32>,
      %eq3A = arith.cmpf oeq, %gather3A, %scan3A_22#0 : vector<16xf32>
      %select_n3A = arith.select %eq3A, %scan3A_22#1, %scan3A_22#0 : vector<16xi1>, vector<16xf32>
      %sub3A = arith.subf %select_n3A, %gather3A : vector<16xf32>
      %sub3A_28 = arith.subf %scan3A_22#0, %scan3A_22#2 : vector<16xf32>
      %add3A_29 = arith.constant 9.99999996E-13 : f32
      %add3A_30 = vector.broadcast %add3A_29 : f32 to vector<16xf32>
      %add3A_31 = arith.addf %sub3A_28, %add3A_30 : vector<16xf32>
      %div3A = arith.divf %sub3A, %add3A_31 : vector<16xf32>
      %mul3A_32 = arith.constant 16 : i32
      %mul3A_33 = arith.muli %scan3A_12, %mul3A_32 : i32
      %swap3A = arith.index_cast %mul3A_33 : i32 to index
      %swap3A_34 = tpu.vector_load %arg7[%swap3A] {strides = array<i32>} : memref<512xf32, #tpu.memory_space<vmem>>, vector<16xf32>,
      tpu.vector_store %arg7[%swap3A], %div3A {strides = array<i32>} : memref<512xf32, #tpu.memory_space<vmem>>, vector<16xf32>,
    }
    %scan3A_11 = arith.constant 32 : i32
    "tpu.region"() ({
      %run_scoped3A = tpu.sem_alloc : memref<!tpu.dma_semaphore, #tpu.memory_space<semaphore_mem>>
      %dma_start3A = tpu.memref_slice %arg4[%mul3A_2] : memref<16384xf32, #tpu.memory_space<hbm>> -> memref<512xf32, #tpu.memory_space<hbm>>
      %dma_start3A_12 = tpu.memref_slice %arg4[%mul3A_2] : memref<16384xf32, #tpu.memory_space<hbm>> -> memref<512xf32, #tpu.memory_space<hbm>>
      tpu.enqueue_dma source(%arg7 : memref<512xf32, #tpu.memory_space<vmem>>) target(%dma_start3A_12 : memref<512xf32, #tpu.memory_space<hbm>>) target_semaphore(%run_scoped3A : memref<!tpu.dma_semaphore, #tpu.memory_space<semaphore_mem>>)
      %dma_wait3A = tpu.memref_slice %arg4[%mul3A_2] : memref<16384xf32, #tpu.memory_space<hbm>> -> memref<512xf32, #tpu.memory_space<hbm>>
      %dma_wait3A_13 = tpu.memref_slice %arg4[%mul3A_2] : memref<16384xf32, #tpu.memory_space<hbm>> -> memref<512xf32, #tpu.memory_space<hbm>>
      tpu.wait_dma2 semaphore(%run_scoped3A : memref<!tpu.dma_semaphore, #tpu.memory_space<semaphore_mem>>) src(%arg7 : memref<512xf32, #tpu.memory_space<vmem>>) dst(%dma_wait3A_13 : memref<512xf32, #tpu.memory_space<hbm>>)
      tpu.yield
    }) : () -> ()
    return
  }
}

</mosaic_0001>

<sc_bundles>
// kernel: kernel.3.cloned.1.call-start
scs
__scs_entry_jumppad:
0x0: {  	(pc) =	sbr.rel $0x88, $3  }
0x1: {  	(tag) =	ssettag $0x0;
	lr =	simm.s32 $0x1  }
0x2: {  	[smem:$0x3F9F] =	sst lr;
	_ =	strace $0xD0000000  }
0x3: {  	_ = 	snop  }
0x4: {  	_ = 	snop  }
0x5: {  	_ = 	snop  }
0x6: {  	_ = 	snop  }
0x7: {  	_ = 	snop  }
__scs_overlays_trampoline_lowered:
0x8: {  	[smem:$0x3FAE] =	sst s0  }
0x9: {  	[smem:$0x3FAF] =	sst s1  }
0xa: {  	[smem:$0x3FB0] =	sst s2  }
0xb: {  	[smem:$0x3FB1] =	sst s3  }
0xc: {  	[smem:$0x3FB2] =	sst s4  }
0xd: {  	[smem:$0x3FB3] =	sst s5  }
0xe: {  	[smem:$0x3FB4] =	sst s6  }
0xf: {  	[smem:$0x3FB5] =	sst s7  }
0x10: {  	[smem:$0x3FB6] =	sst s8  }
0x11: {  	[smem:$0x3FB7] =	sst s9;
	s0 =	simm.s32 @!p0 $0x0  }
0x12: {  	s1 =	sld [smem:$0x3F9D];
	s0 =	simm.s32 @p0 $0x1  }
0x13: {  	[smem:$0x3FB8] =	sst s0;
	s0 =	simm.s32 @!p1 $0x0  }
0x14: {  	s2 =	sld [smem:$0x3F9C];
	s0 =	simm.s32 @p1 $0x1  }
0x15: {  	[smem:$0x3FB9] =	sst s0;
	s0 =	simm.s32 @!p2 $0x0  }
0x16: {  	s3 =	sld [smem:$0x3FDB];
	s0 =	simm.s32 @p2 $0x1  }
0x17: {  	s4 =	simm.s32 $0x1BF5;
	[smem:$0x3FBB] =	sst s0  }
0x18: {  	s0 =	sld [smem:$0x3F9E];
	_ =	swait.ge [sflag:s4], $0x0  }
0x19: {  	s7 =	sld [smem:$0x3F9F]  }
0x1a: {  	s8 =	sadd.s32 $0xFFFFE003, lr  }
0x1b: {  	s9 =	sadd.s32 $0xFFFFFEF7, lr;
	s5 =	simm.s32 $0xFFFFFFFF;
	p2 =	slt.u32 s8, $0xFFFFF086  }
0x1c: {  	p1 =	slt.u32 s9, $0xF7A;
	s5 =	simm.s32 @!p2 $0x0  }
0x1d: {  	s5 =	simm.s32 @p1 $0x1;
	p0 =	seq.s32 s7, s2  }
0x1e: {  	s7 =	smul.u32 @!p0 $0xF7A, s2;
	p2 =	seq.s32 @!p0 s5, $0x0  }
0x1f: {  	s9 =	smul.u32 $0xF7A, s1;
	s8 =	simm.s32 @!p0 $0x1BF5;
	p2 =	por !p2, p0  }
0x20: {  	[sflag:s8] =	ssyncset.s32 @!p0 $0xFFFFF086;
	s6 =	sadd.s32 @!p0 s3, s7;
	s7 =	simm.s32 @!p0 $0x108  }
0x21: {  	s3 =	sadd.s32 s3, s9;
	s6 =	sadd.s32 @!p0 $0x88, s6;
	s7 =	simm.s32 @p2 $0x1082  }
0x22: {  	[simem:s7], [sflag:s8] =	dma.local @!p0 [hbm:s6], $0xF7A  }
0x23: {  	s9 =	sor.u32 $0xD0000000, s2;
	s6 =	simm.s32 $0x108;
	_ =	swait.ge @!p0 [sflag:s8], $0x0  }
0x24: {  	s3 =	sadd.s32 $0x88, s3;
	s6 =	simm.s32 @!p1 $0x1082;
	[sflag:s4] =	ssyncset.s32 $0xFFFFF086  }
0x25: {  	[simem:s6], [sflag:s4] =	dma.local [hbm:s3], $0xF7A  }
0x26: {  	[smem:$0x3F9F] =	sst s1;
	(tag) =	ssettag s2;
	_ =	strace s9  }
0x27: {  	s1 =	sld [smem:$0x3FAF]  }
0x28: {  	s2 =	sld [smem:$0x3FB0]  }
0x29: {  	s4 =	sld [smem:$0x3FB2]  }
0x2a: {  	p0 =	seq.s32 s5, $0x0;
	s5 =	sld [smem:$0x3FB3]  }
0x2b: {  	s6 =	sld [smem:$0x3FB4]  }
0x2c: {  	s7 =	sld [smem:$0x3FB5]  }
0x2d: {  	s3 =	simm.s32 $0x108;
	s8 =	sld [smem:$0x3FB6]  }
0x2e: {  	s3 =	simm.s32 @!p0 $0x1082;
	s9 =	sld [smem:$0x3FB7]  }
0x2f: {  	lr =	sadd.s32 s0, s3;
	s0 =	sld [smem:$0x3FAE]  }
0x30: {  	s3 =	sld [smem:$0x3FB1]  }
0x31: {  	[smem:$0x3FBA] =	sst s10  }
0x32: {  	s10 =	sld [smem:$0x3FB8];
	_ =	sdelay $0x3  }
0x33: {  	p0 =	seq.s32 s10, $0x1;
	s10 =	sld [smem:$0x3FBA];
	_ =	sdelay $0x3  }
0x34: {  	[smem:$0x3FBA] =	sst s10  }
0x35: {  	s10 =	sld [smem:$0x3FB9];
	_ =	sdelay $0x3  }
0x36: {  	p1 =	seq.s32 s10, $0x1;
	s10 =	sld [smem:$0x3FBA];
	_ =	sdelay $0x3  }
0x37: {  	[smem:$0x3FBA] =	sst s10  }
0x38: {  	s10 =	sld [smem:$0x3FBB]  }
0x39: {  	_ = 	snop;
	(pc) =	sbr.ind lr, $3  }
0x3a: {  	_ = 	snop  }
0x3b: {  	_ = 	snop  }
0x3c: {  	p2 =	seq.s32 s10, $0x1;
	s10 =	sld [smem:$0x3FBA]  }
0x3d: {  	_ =	shalt  }
0x3e: {  	_ =	shalt  }
0x3f: {  	_ =	shalt  }
0x40: {  	_ =	shalt  }
0x41: {  	_ =	shalt  }
0x42: {  	_ =	shalt  }
0x43: {  	_ =	shalt  }
0x44: {  	_ =	shalt  }
0x45: {  	_ =	shalt  }
0x46: {  	_ =	shalt  }
0x47: {  	_ =	shalt  }
0x48: {  	_ =	shalt  }
0x49: {  	_ =	shalt  }
0x4a: {  	_ =	shalt  }
0x4b: {  	_ =	shalt  }
0x4c: {  	_ =	shalt  }
0x4d: {  	_ =	shalt  }
0x4e: {  	_ =	shalt  }
0x4f: {  	_ =	shalt  }
0x50: {  	_ =	shalt  }
0x51: {  	_ =	shalt  }
0x52: {  	_ =	shalt  }
0x53: {  	_ =	shalt  }
0x54: {  	_ =	shalt  }
0x55: {  	_ =	shalt  }
0x56: {  	_ =	shalt  }
0x57: {  	_ =	shalt  }
0x58: {  	_ =	shalt  }
0x59: {  	_ =	shalt  }
0x5a: {  	_ =	shalt  }
0x5b: {  	_ =	shalt  }
0x5c: {  	_ =	shalt  }
0x5d: {  	_ =	shalt  }
0x5e: {  	_ =	shalt  }
0x5f: {  	_ =	shalt  }
0x60: {  	_ =	shalt  }
0x61: {  	_ =	shalt  }
0x62: {  	_ =	shalt  }
0x63: {  	_ =	shalt  }
0x64: {  	_ =	shalt  }
0x65: {  	_ =	shalt  }
0x66: {  	_ =	shalt  }
0x67: {  	_ =	shalt  }
0x68: {  	_ =	shalt  }
0x69: {  	_ =	shalt  }
0x6a: {  	_ =	shalt  }
0x6b: {  	_ =	shalt  }
0x6c: {  	_ =	shalt  }
0x6d: {  	_ =	shalt  }
0x6e: {  	_ =	shalt  }
0x6f: {  	_ =	shalt  }
0x70: {  	_ =	shalt  }
0x71: {  	_ =	shalt  }
0x72: {  	_ =	shalt  }
0x73: {  	_ =	shalt  }
0x74: {  	_ =	shalt  }
0x75: {  	_ =	shalt  }
0x76: {  	_ =	shalt  }
0x77: {  	_ =	shalt  }
0x78: {  	_ =	shalt  }
0x79: {  	_ =	shalt  }
0x7a: {  	_ =	shalt  }
0x7b: {  	_ =	shalt  }
0x7c: {  	_ =	shalt  }
0x7d: {  	_ =	shalt  }
0x7e: {  	_ =	shalt  }
0x7f: {  	_ =	shalt  }
0x80: {  	_ =	shalt  }
0x81: {  	_ =	shalt  }
0x82: {  	_ =	shalt  }
0x83: {  	_ =	shalt  }
0x84: {  	_ =	shalt  }
0x85: {  	_ =	shalt  }
0x86: {  	_ =	shalt  }
0x87: {  	_ =	shalt  }
.Lfunc_end0:
.L_simem_size_0:
called_computation_lowered:
.L_overlay_start_0:
0x88: {  	s2 =	sld [smem:$0x3FD9]  }
0x89: {  	s3 =	sld [smem:$0x3FFE];
	_ =	sdelay $0x1  }
0x8a: {  	s1 =	srdreg.scid  }
0x8b: {  	s0 =	sand.u32 $0x1, s1  }
0x8c: {  	s17 =	sshll.u32 s0, $0xA;
	s2 =	sadd.s32 s3, s2  }
0x8d: {  	s2 =	sadd.s32 s2, s17  }
0x8e: {  	[smem:$0x3FC6] =	sst s2  }
0x8f: {  	_ = 	snop  }
0x90: {  	s2 =	sld [smem:$0x3FC8]  }
0x91: {  	s18 =	sld [smem:$0x3FD0];
	(tm) =	ssettm $0x1  }
0x92: {  	s4 =	sld [smem:$0x3FFB];
	_ =	sdelay $0x3  }
0x93: {  	_ =	strace s4  }
0x94: {  	s4 =	sld [smem:$0x3FFC];
	_ =	sdelay $0x3  }
0x95: {  	_ =	strace s4  }
0x96: {  	s4 =	sld [smem:$0x3FFD];
	_ =	sdelay $0x3  }
0x97: {  	_ =	strace s4  }
0x98: {  	_ =	strace $0x8FFFFFFF  }
0x99: {  	s19 =	sld [smem:$0x3FDB];
	_ =	sdelay $0x1  }
0x9a: {  	s5 =	simm.s32 $_scs_section_size  }
0x9b: {  	s6 =	simm.s32 $_size__tile_overlayer_lowered;
	s7 =	simm.s32 $_tile_overlayer_lowered  }
0x9c: {  	s22 =	simm.s32 $0x1BFF;
	s21 =	sshll.u32 s7, $0x1;
	s4 =	sadd.s32 s5, s19  }
0x9d: {  	s8 =	simm.s32 $0x0;
	s20 =	sshll.u32 s6, $0x1;
	s6 =	sadd.s32 s21, s4  }
0x9e: {  	[timem:s8], [sflag:s22] =	dma.local [hbm:s6], s20  }
0x9f: {  	_ =	swait.ge [sflag:s22], s20  }
0xa0: {  	s5 =	ssub.s32 $0x0, s20;
	[sflag:s22] =	ssyncset.done $0x0  }
0xa1: {  	[sflag:s22] =	ssyncadd.s32 s5;
	_ =	sdelay $0x1  }
0xa2: {  	s23 =	simm.s32 $0x1B8B  }
0xa3: {  	_ =	swait.ge [sflag:s23], $0x1  }
0xa4: {  	[sflag:s23] =	ssyncset.done $0x0  }
0xa5: {  	s25 =	simm.s32 $0x1B8E;
	s24 =	sld [smem:$0x3FFE];
	[sflag:s23] =	ssyncadd.s32 $0xFFFFFFFF  }
0xa6: {  	s26 =	simm.s32 $execute0_lowered;
	[smem:$0x3FD2] =	sst s25  }
0xa7: {  	s6 =	sshll.u32 s26, $0x1;
	_ =	strace $0x80000046;
	[dreg:$0x1] =	wrdreg $0xFFFFFFFF  }
0xa8: {  	s28 =	simm.s32 $_size_execute0_lowered;
	s4 =	sadd.s32 s4, s6;
	[dreg:$0x0] =	wrdreg $0x0  }
0xa9: {  	s6 =	sshll.u32 s28, $0x1;
	[dreg:$0x2] =	wrdreg s4  }
0xaa: {  	[dreg:$0x3] =	wrdreg s6  }
0xab: {  	[dreg:$0x4] =	wrdreg $0xC0  }
0xac: {  	_ =	task [dreg:s8], $0x5FFFF  }
0xad: {  	[dreg:$0x1] =	wrdreg $0xFFFFFFFF  }
0xae: {  	[dreg:$0x0] =	wrdreg $0x60  }
0xaf: {  	[dreg:$0x2] =	wrdreg s24  }
0xb0: {  	[dreg:$0x3] =	wrdreg s2  }
0xb1: {  	[dreg:$0x4] =	wrdreg s18  }
0xb2: {  	[dreg:$0x5] =	wrdreg $0x9  }
0xb3: {  	_ =	task.clear_ibuf [dreg:s8], $0x6FFFF;
	_ =	strace $0x90000046  }
0xb4: {  	s29 =	simm.s32 $0x9;
	_ =	strace $0x80000048  }
0xb5: {  	_ =	swait.ge [sflag:s29], $0x1  }
0xb6: {  	[sflag:s29] =	ssyncadd.s32 $0xFFFFFFFF  }
0xb7: {  	_ =	strace $0x90000048  }
0xb8: {  	_ =	sfence  }
0xb9: {  	s30 =	sld [smem:$0x0];
	_ =	sdelay $0x2  }
0xba: {  	s31 =	sshll.u32 s1, $0xD;
	s1 =	sshrl.u32 s1, $0x2  }
0xbb: {  	s3 =	sand.u32 $0x4000, s31;
	s1 =	sadd.s32 s1, s30  }
0xbc: {  	s0 =	sor.u32 s3, s0;
	s1 =	sshll.u32 s1, $0x11  }
0xbd: {  	s0 =	sor.u32 s1, s0  }
0xbe: {  	s0 =	sadd.s32 $0x8F2B, s0  }
0xbf: {  	[sflag:s0] =	ssyncadd.remote.s32 $0x1  }
0xc0: {  	_ =	sfence.sel $0xFFFF  }
0xc1: {  	[dreg:$0x0] =	wrdreg $0xFFFFFFFF;
	(pc) =	sbr.abs _section_cstart, $3  }
0xc2: {  	[dreg:$0x1] =	wrdreg $0xFFFFFFFF  }
0xc3: {  	_ =	task.clear_ibuf [dreg:s8], $0x2FFFF;
	_ =	strace $0x9FFFFFFF  }
0xc4: {  	(tm) =	ssettm $0x7FFFFFFF  }
0xc5: {  	_ =	shalt  }
tec
execute0_lowered:
.L_overlay_start_1:
0x0: {  	(tag) =	ssettag $0x1  }
0x1: {  	s4 =	rddreg [dreg:$0x0]  }
0x2: {  	s5 =	rddreg [dreg:$0x1]  }
0x3: {  	s6 =	rddreg [dreg:$0x2];
	s2 =	srdreg.scid  }
0x4: {  	s0 =	rddreg [dreg:$0x3];
	s1 =	stileid.u32;
	s10 =	simm.s32 $0x4080  }
0x5: {  	s11 =	simm.s32 $0x0;
	s3 =	sand.u32 $0x1, s2;
	s2 =	simm.s32 $0x0  }
0x6: {  	s8 =	sshll.u32 s1, $0x9;
	s4 =	sadd.s32 $0x200400, s4;
	s7 =	sshll.u32 s3, $0xD  }
0x7: {  	[smem:$0x7FF] =	sst s2;
	s9 =	ssub.s32 $0x2, s3;
	s3 =	sor.u32 s8, s7  }
0x8: {  	_ =	strace $0x80000047;
	s31 =	sshrl.u32 s9, $0x1;
	s8 =	sshrl.u32 s3, $0x3  }
0x9: {  	v0 =	vlaneseq.u32;
	s7 =	ssub.s32 s9, s31;
	s9 =	simm.s32 $0x1;
	s5 =	sadd.s32 s5, s8  }
0xa: {  	v0 =	vmul.u32 $0x3E8, v0;
	s6 =	sadd.s32 s6, s8;
	s7 =	smax.u32 s7, $0x1;
	s8 =	simm.s32 $0x3E80  }
.LBB2_1:
0xb: {  	[tilespmem:s8], [sflag:$0x1] =	stream.linear.gather [hbm4b:s5+s2], $0x200, $0x38;
	[tilespmem:$0x4280] =	vst v63  }
0xc: {  	_ =	swait.ge [sflag:s9], $0x200  }
0xd: {  	[sflag:s9] =	ssyncset.done $0x0  }
0xe: {  	s12 =	simm.s32 $0x0;
	[sflag:s9] =	ssyncadd.s32 $0xFFFFFE00  }
.LBB2_2:
0xf: {  	s13 =	sshll.u32 s12, $0x4  }
0x10: {  	s14 =	sadd.s32 s3, s13  }
0x11: {  	s14 =	smul.u32 $0x7D, s14;
	_ =	sdelay $0x1  }
0x12: {  	s14 =	sadd.s32 s4, s14  }
0x13: {  	[tilespmem:s2], [sflag:$0x1] =	stream.linear.gather [hbm4b:s14+s2], $0x3E80, $0x38;
	[tilespmem:$0x4280] =	vst v63  }
0x14: {  	_ =	swait.ge [sflag:s9], $0x3E80  }
0x15: {  	v5 =	vadd.s32 $0x1, v0;
	[sflag:s9] =	ssyncset.done $0x0  }
0x16: {  	[sflag:s9] =	ssyncadd.s32 $0xFFFFC180  }
0x17: {  	v4 =	vld.idx.msk [tilespmem:v0+s2+$0x0], $0xffff;
	_ =	sdelay $0x2  }
0x18: {  	v6 =	vadd.s32 $0x1, v5;
	v2 =	vld.idx.msk [tilespmem:v5+s2+$0x0], $0xffff  }
0x19: {  	v1 =	vimm.f32 $-3.000000010e+38  }
0x1a: {  	v3 =	vmin.f32 v1, v4  }
0x1b: {  	v7 =	vmin.f32 v1, v3  }
0x1c: {  	s14 =	simm.s32 $0x3E6;
	v4 =	vmax.f32 v1, v4;
	v5 =	vmax.f32 v1, v7  }
.LBB2_3:
0x1d: {  	p0 =	sne.s32 s14, $0x1;
	s14 =	sadd.s32 $0xFFFFFFFF, s14;
	v1 =	vmax.f32 v1, v3;
	v3 =	vmin.f32 v4, v2;
	v7 =	vmov v2;
	v2 =	vld.idx.msk [tilespmem:v6+s2+$0x0], $0xffff  }
.Ltmp0:
0x1e: {  	v6 =	vadd.s32 $0x1, v6;
	v8 =	vmin.f32 v1, v3;
	(pc) =	sbr.rel @p0 .LBB2_3-.Ltmp0, $2  }
0x1f: {  	v5 =	vmax.f32 v5, v8;
	_ =	sdelay $0x2  }
0x20: {  	v4 =	vmax.f32 v4, v7  }
0x21: {  	v6 =	vld [tilespmem:s13+$0x3E80];
	_ =	sdelay $0x1  }
0x22: {  	v7 =	vmin.f32 v4, v2;
	v1 =	vmax.f32 v1, v3  }
0x23: {  	v3 =	vmin.f32 v1, v7  }
0x24: {  	v2 =	vmax.f32 v4, v2;
	v3 =	vmax.f32 v5, v3  }
0x25: {  	v3 =	vsub.f32 v2, v3;
	v63 =	vadd.s32 v0, v6;
	_ =	sdelay $0x1  }
0x26: {  	v3 =	vadd.f32 $9.999999960e-13, v3;
	_ =	sdelay $0x1  }
0x27: {  	(erf) = vrcp.f32 v3  }
0x28: {  	v3 =	vld.idx.msk [tilespmem:v63+s2+$0x0], $0xffff;
	_ =	sdelay $0x4  }
0x29: {  	s12 =	sadd.s32 $0x1, s12;
	v1 =	vmax.f32 v1, v7;
	vm0 =	veq.f32 v3, v2  }
0x2a: {  	p0 =	sne.s32 s12, $0x20;
	v1 =	vsel vm0, v1, v2  }
.Ltmp1:
0x2b: {  	v1 =	vsub.f32 v1, v3;
	(pc) =	sbr.rel @p0 .LBB2_2-.Ltmp1, $3  }
0x2c: {  	v2 =	vpop (erf)  }
0x2d: {  	v1 =	vmul.f32 v1, v2;
	_ =	sdelay $0x1  }
0x2e: {  	[tilespmem:s13+$0x4080] =	vst v1  }
0x2f: {  	s11 =	sadd.s32 $0x1, s11  }
0x30: {  	p0 =	sne.s32 s11, s7  }
.Ltmp2:
0x31: {  	_ = 	snop;
	(pc) =	sbr.rel @p0 .LBB2_1-.Ltmp2, $4  }
0x32: {  	[hbm4b:s6+s2] =	stream.linear.scatter [tilespmem:s10], [sflag:$0x1], $0x200, $0x38;
	[tilespmem:$0x4280] =	vst v63  }
0x33: {  	_ =	swait.ge [sflag:s9], $0x200  }
0x34: {  	[sflag:s9] =	ssyncset.done $0x0  }
0x35: {  	[sflag:s9] =	ssyncadd.s32 $0xFFFFFE00  }
0x36: {  	_ =	sfence.sel $0x180000  }
0x37: {  	[bflag:$0x0] =	sbarrier.arrive $0xFFFF  }
0x38: {  	p0 =	sne.s32 s1, $0x0;
	_ =	strace $0x90000047  }
0x39: {  	s0 =	sadd.s32 @!p0 $0x100000, s0;
	[bflag:$0x2] =	sbarrier.arrive $0xFFFF  }
0x3a: {  	[sflag:s0] =	ssyncadd.tile.s32 @!p0 $0x1;
	_ =	shalt  }
.Lfunc_end2:
_tile_overlayer_lowered:
.L_overlay_start_2:
0x3b: {  	(tag) =	ssettag $0x2  }
0x3c: {  	s0 =	rddreg [dreg:$0x0];
	s2 =	stileid.u32  }
0x3d: {  	s1 =	rddreg [dreg:$0x1];
	p0 =	sne.s32 s2, $0x0  }
0x3e: {  	s3 =	rddreg [dreg:$0x2];
	[bflag:$0x3] =	sbarrier.arrive $0xFFFF;
	s2 =	simm.s32 @!p0 $0x1C01  }
0x3f: {  	[timem:s3], [sflag:s2] =	dma.local @!p0 [hbm:s0], s1  }
0x40: {  	s0 =	simm.s32 @!p0 $0x1  }
0x41: {  	_ =	swait.ge @!p0 [sflag:s0], s1  }
0x42: {  	s1 =	ssub.s32 @!p0 $0x0, s1;
	[sflag:s0] =	ssyncset.done @!p0 $0x0  }
0x43: {  	[sflag:s0] =	ssyncadd.s32 @!p0 s1  }
0x44: {  	[bflag:$0x3] =	sbarrier.arrive $0xFFFF  }
0x45: {  	_ =	shalt  }

</sc_bundles>
